<compile_context>
chip_gen: v7x
topology: tpu7x:2x2x1
jax: 0.10.2.dev20260603
libtpu: 0.0.44.dev20260713+nightly
codegen_flags: <defaults>
</compile_context>

<pallas_src>
import functools

import jax
import jax.numpy as jnp
from jax import lax
from jax.experimental import pallas as pl
from jax.experimental.pallas import tpu as pltpu
from jax.experimental.pallas import tpu_sc as plsc


@functools.partial(
    pl.kernel,
    out_type=jax.ShapeDtypeStruct((4, 3, 2, 224, 224), jnp.float32),
    mesh=plsc.VectorSubcoreMesh(core_axis_name="c", subcore_axis_name="s"),
    scratch_types=[
        pltpu.VMEM((1, 224, 224), jnp.float32),
        pltpu.VMEM((16,), jnp.int32),
        pltpu.SemaphoreType.DMA,
    ],
)
def _sc_gather(t_hbm, x_hbm, out_hbm, buf, t_v, sem):
    wid = lax.axis_index("s") * 2 + lax.axis_index("c")

    @pl.when(wid < 24)
    def _():
        pltpu.sync_copy(t_hbm, t_v)
        slot = wid % 2
        bc = wid // 2
        i = bc // 3
        j = bc - i * 3
        vec = t_v[...]
        t = vec[0] * (1 - slot) + vec[1] * slot
        pltpu.async_copy(x_hbm.at[i, j, pl.ds(t, 1)], buf, sem).wait()
        pltpu.sync_copy(buf, out_hbm.at[i, j, pl.ds(slot, 1)])


def kernel(x):
    gap = jax.random.randint(jax.random.key(1), (1,), 2, 16).astype(jnp.int32)
    t_idx = jnp.concatenate(
        [jnp.zeros((1,), dtype=jnp.int32), gap,
         jnp.zeros((14,), dtype=jnp.int32)])
    return _sc_gather(t_idx, x)

# --- scband reference (transcript-rebuilt; emitter-appended) ---
"""Pipeline reference for scband-random-temporal-subsample-26268019983004 (READ-ONLY COPY).

The authoritative reference and input builder live on the scoring server;
editing this copy changes nothing except your own understanding.
"""

import jax, jax.numpy as jnp
import numpy as np

MIN_GAP = 2
MAX_GAP = 16
TEMPORAL_DIM = -3


def setup_inputs(seed: int = 0) -> dict:
    key = jax.random.key(seed)
    x = jax.random.normal(key, (4, 3, 32, 224, 224), dtype=jnp.float32)
    return {"x": x}


def reference(x):
    # torch.randint(min_gap, max_gap, (1,)) -> deterministic jax equivalent with fixed key
    gap = jax.random.randint(jax.random.key(1), (1,), MIN_GAP, MAX_GAP).astype(jnp.int32)
    idx = jnp.concatenate([jnp.zeros((1,), dtype=jnp.int32), gap])
    # torch.index_select(video, temporal_dim, [0, gap])
    return jnp.take(x, idx, axis=TEMPORAL_DIM)

if __name__ == "__main__":
    import jax
    _d = setup_inputs()
    print(jax.jit(kernel)(*tuple(_d.values())))

</pallas_src>

<mosaic_0001>
#map = affine_map<(d0, d1) -> (0)>
#map1 = affine_map<(d0, d1) -> (0, 0, 0, 0, 0)>
module attributes {stable_mosaic.version = 14 : i64} {
  func.func @_sc_gather(%arg0: i32, %arg1: i32, %arg2: memref<16xi32, #tpu.memory_space<hbm>>, %arg3: memref<4x3x32x224x224xf32, #tpu.memory_space<hbm>>, %arg4: memref<4x3x2x224x224xf32, #tpu.memory_space<hbm>>, %arg5: memref<1x224x224xf32, #tpu.memory_space<vmem>>, %arg6: memref<16xi32, #tpu.memory_space<vmem>>, %arg7: memref<!tpu.dma_semaphore, #tpu.memory_space<semaphore_mem>>) attributes {dimension_semantics = [#tpu.dimension_semantics<core_parallel>, #tpu.dimension_semantics<subcore_parallel>], iteration_bounds = array<i64: 2, 16>, scalar_prefetch = 0 : i64, scratch_operands = 3 : i64, tpu.core_type = #tpu.core_type<sc_vector_subcore>, window_params = [{transform_indices = #map}, {transform_indices = #map1}, {transform_indices = #map1}]} {
    %mul3A = arith.constant 2 : i32
    %mul3A_0 = arith.muli %arg1, %mul3A : i32
    %add3A = arith.addi %mul3A_0, %arg0 : i32
    %lt3A = arith.constant 24 : i32
    %lt3A_1 = arith.cmpi slt, %add3A, %lt3A : i32
    %convert_element_type3A = arith.extui %lt3A_1 : i1 to i32
    %cond3A = arith.constant 0 : i32
    %cond3A_2 = arith.cmpi ne, %convert_element_type3A, %cond3A : i32
    scf.if %cond3A_2 {
      "tpu.region"() ({
        %run_scoped3A = tpu.sem_alloc : memref<!tpu.dma_semaphore, #tpu.memory_space<semaphore_mem>>
        tpu.enqueue_dma source(%arg2 : memref<16xi32, #tpu.memory_space<hbm>>) target(%arg6 : memref<16xi32, #tpu.memory_space<vmem>>) target_semaphore(%run_scoped3A : memref<!tpu.dma_semaphore, #tpu.memory_space<semaphore_mem>>)
        tpu.wait_dma2 semaphore(%run_scoped3A : memref<!tpu.dma_semaphore, #tpu.memory_space<semaphore_mem>>) src(%arg2 : memref<16xi32, #tpu.memory_space<hbm>>) dst(%arg6 : memref<16xi32, #tpu.memory_space<vmem>>)
        tpu.yield
      }) : () -> ()
      %jit3A = arith.constant 2 : i32
      %eq3A = arith.constant 0 : i32
      %eq3A_3 = arith.cmpi eq, %jit3A, %eq3A : i32
      %jit3A_4 = arith.constant 1 : i32
      %select_n3A = arith.select %eq3A_3, %jit3A_4, %jit3A : i32
      %rem3A = arith.remsi %add3A, %select_n3A : i32
      %ne3A = arith.constant 0 : i32
      %ne3A_5 = arith.cmpi ne, %rem3A, %ne3A : i32
      %lt3A_6 = arith.constant 0 : i32
      %lt3A_7 = arith.cmpi slt, %rem3A, %lt3A_6 : i32
      %lt3A_8 = arith.constant 0 : i32
      %lt3A_9 = arith.cmpi slt, %select_n3A, %lt3A_8 : i32
      %ne3A_10 = arith.xori %lt3A_7, %lt3A_9 : i1
      %and3A = arith.andi %ne3A_10, %ne3A_5 : i1
      %add3A_11 = arith.addi %rem3A, %select_n3A : i32
      %select_n3A_12 = arith.select %and3A, %add3A_11, %rem3A : i32
      %jit3A_13 = arith.constant 2 : i32
      %div3A = arith.divsi %add3A, %jit3A_13 : i32
      %sign3A = arith.constant 0 : i32
      %sign3A_14 = arith.cmpi sgt, %add3A, %sign3A : i32
      %sign3A_15 = arith.extui %sign3A_14 : i1 to i32
      %sign3A_16 = arith.constant 0 : i32
      %sign3A_17 = arith.cmpi slt, %add3A, %sign3A_16 : i32
      %sign3A_18 = arith.extui %sign3A_17 : i1 to i32
      %sign3A_19 = arith.subi %sign3A_15, %sign3A_18 : i32
      %sign3A_20 = arith.constant 0 : i32
      %sign3A_21 = arith.cmpi sgt, %jit3A_13, %sign3A_20 : i32
      %sign3A_22 = arith.extui %sign3A_21 : i1 to i32
      %sign3A_23 = arith.constant 0 : i32
      %sign3A_24 = arith.cmpi slt, %jit3A_13, %sign3A_23 : i32
      %sign3A_25 = arith.extui %sign3A_24 : i1 to i32
      %sign3A_26 = arith.subi %sign3A_22, %sign3A_25 : i32
      %ne3A_27 = arith.cmpi ne, %sign3A_19, %sign3A_26 : i32
      %rem3A_28 = arith.remsi %add3A, %jit3A_13 : i32
      %ne3A_29 = arith.constant 0 : i32
      %ne3A_30 = arith.cmpi ne, %rem3A_28, %ne3A_29 : i32
      %and3A_31 = arith.andi %ne3A_27, %ne3A_30 : i1
      %sub3A = arith.constant 1 : i32
      %sub3A_32 = arith.subi %div3A, %sub3A : i32
      %select_n3A_33 = arith.select %and3A_31, %sub3A_32, %div3A : i32
      %jit3A_34 = arith.constant 3 : i32
      %div3A_35 = arith.divsi %select_n3A_33, %jit3A_34 : i32
      %sign3A_36 = arith.constant 0 : i32
      %sign3A_37 = arith.cmpi sgt, %select_n3A_33, %sign3A_36 : i32
      %sign3A_38 = arith.extui %sign3A_37 : i1 to i32
      %sign3A_39 = arith.constant 0 : i32
      %sign3A_40 = arith.cmpi slt, %select_n3A_33, %sign3A_39 : i32
      %sign3A_41 = arith.extui %sign3A_40 : i1 to i32
      %sign3A_42 = arith.subi %sign3A_38, %sign3A_41 : i32
      %sign3A_43 = arith.constant 0 : i32
      %sign3A_44 = arith.cmpi sgt, %jit3A_34, %sign3A_43 : i32
      %sign3A_45 = arith.extui %sign3A_44 : i1 to i32
      %sign3A_46 = arith.constant 0 : i32
      %sign3A_47 = arith.cmpi slt, %jit3A_34, %sign3A_46 : i32
      %sign3A_48 = arith.extui %sign3A_47 : i1 to i32
      %sign3A_49 = arith.subi %sign3A_45, %sign3A_48 : i32
      %ne3A_50 = arith.cmpi ne, %sign3A_42, %sign3A_49 : i32
      %rem3A_51 = arith.remsi %select_n3A_33, %jit3A_34 : i32
      %ne3A_52 = arith.constant 0 : i32
      %ne3A_53 = arith.cmpi ne, %rem3A_51, %ne3A_52 : i32
      %and3A_54 = arith.andi %ne3A_50, %ne3A_53 : i1
      %sub3A_55 = arith.constant 1 : i32
      %sub3A_56 = arith.subi %div3A_35, %sub3A_55 : i32
      %select_n3A_57 = arith.select %and3A_54, %sub3A_56, %div3A_35 : i32
      %mul3A_58 = arith.constant 3 : i32
      %mul3A_59 = arith.muli %select_n3A_57, %mul3A_58 : i32
      %sub3A_60 = arith.subi %select_n3A_33, %mul3A_59 : i32
      %get3A = arith.constant 0 : index
      %get3A_61 = tpu.vector_load %arg6[%get3A] {strides = array<i32>} : memref<16xi32, #tpu.memory_space<vmem>>, vector<16xi32>,
      %get3A_62 = vector.shape_cast %get3A_61 : vector<16xi32> to vector<16xi32>
      %slice3A = vector.extract_strided_slice %get3A_62 {offsets = [0], sizes = [1], strides = [1]} : vector<16xi32> to vector<1xi32>
      %squeeze3A = vector.extract %slice3A[0] : i32 from vector<1xi32>
      %sub3A_63 = arith.constant 1 : i32
      %sub3A_64 = arith.subi %sub3A_63, %select_n3A_12 : i32
      %mul3A_65 = arith.muli %squeeze3A, %sub3A_64 : i32
      %slice3A_66 = vector.extract_strided_slice %get3A_62 {offsets = [1], sizes = [1], strides = [1]} : vector<16xi32> to vector<1xi32>
      %squeeze3A_67 = vector.extract %slice3A_66[0] : i32 from vector<1xi32>
      %mul3A_68 = arith.muli %squeeze3A_67, %select_n3A_12 : i32
      %add3A_69 = arith.addi %mul3A_65, %mul3A_68 : i32
      %dma_start3A = arith.constant 0 : i32
      %dma_start3A_70 = arith.constant 0 : i32
      %dma_start3A_71 = tpu.memref_slice %arg3[%select_n3A_57, %sub3A_60, %add3A_69, %dma_start3A, %dma_start3A_70] : memref<4x3x32x224x224xf32, #tpu.memory_space<hbm>> -> memref<1x1x1x224x224xf32, #tpu.memory_space<hbm>>
      %dma_start3A_72 = tpu.memref_squeeze %dma_start3A_71 : memref<1x1x1x224x224xf32, #tpu.memory_space<hbm>> -> memref<1x224x224xf32, #tpu.memory_space<hbm>>
      %dma_start3A_73 = arith.constant 0 : i32
      %dma_start3A_74 = arith.constant 0 : i32
      %dma_start3A_75 = tpu.memref_slice %arg3[%select_n3A_57, %sub3A_60, %add3A_69, %dma_start3A_73, %dma_start3A_74] : memref<4x3x32x224x224xf32, #tpu.memory_space<hbm>> -> memref<1x1x1x224x224xf32, #tpu.memory_space<hbm>>
      %dma_start3A_76 = tpu.memref_squeeze %dma_start3A_75 : memref<1x1x1x224x224xf32, #tpu.memory_space<hbm>> -> memref<1x224x224xf32, #tpu.memory_space<hbm>>
      tpu.enqueue_dma source(%dma_start3A_76 : memref<1x224x224xf32, #tpu.memory_space<hbm>>) target(%arg5 : memref<1x224x224xf32, #tpu.memory_space<vmem>>) target_semaphore(%arg7 : memref<!tpu.dma_semaphore, #tpu.memory_space<semaphore_mem>>)
      %dma_wait3A = arith.constant 0 : i32
      %dma_wait3A_77 = arith.constant 0 : i32
      %dma_wait3A_78 = tpu.memref_slice %arg3[%select_n3A_57, %sub3A_60, %add3A_69, %dma_wait3A, %dma_wait3A_77] : memref<4x3x32x224x224xf32, #tpu.memory_space<hbm>> -> memref<1x1x1x224x224xf32, #tpu.memory_space<hbm>>
      %dma_wait3A_79 = tpu.memref_squeeze %dma_wait3A_78 : memref<1x1x1x224x224xf32, #tpu.memory_space<hbm>> -> memref<1x224x224xf32, #tpu.memory_space<hbm>>
      %dma_wait3A_80 = arith.constant 0 : i32
      %dma_wait3A_81 = arith.constant 0 : i32
      %dma_wait3A_82 = tpu.memref_slice %arg3[%select_n3A_57, %sub3A_60, %add3A_69, %dma_wait3A_80, %dma_wait3A_81] : memref<4x3x32x224x224xf32, #tpu.memory_space<hbm>> -> memref<1x1x1x224x224xf32, #tpu.memory_space<hbm>>
      %dma_wait3A_83 = tpu.memref_squeeze %dma_wait3A_82 : memref<1x1x1x224x224xf32, #tpu.memory_space<hbm>> -> memref<1x224x224xf32, #tpu.memory_space<hbm>>
      tpu.wait_dma2 semaphore(%arg7 : memref<!tpu.dma_semaphore, #tpu.memory_space<semaphore_mem>>) src(%dma_wait3A_83 : memref<1x224x224xf32, #tpu.memory_space<hbm>>) dst(%arg5 : memref<1x224x224xf32, #tpu.memory_space<vmem>>)
      "tpu.region"() ({
        %run_scoped3A = tpu.sem_alloc : memref<!tpu.dma_semaphore, #tpu.memory_space<semaphore_mem>>
        %dma_start3A_84 = arith.constant 0 : i32
        %dma_start3A_85 = arith.constant 0 : i32
        %dma_start3A_86 = tpu.memref_slice %arg4[%select_n3A_57, %sub3A_60, %select_n3A_12, %dma_start3A_84, %dma_start3A_85] : memref<4x3x2x224x224xf32, #tpu.memory_space<hbm>> -> memref<1x1x1x224x224xf32, #tpu.memory_space<hbm>>
        %dma_start3A_87 = tpu.memref_squeeze %dma_start3A_86 : memref<1x1x1x224x224xf32, #tpu.memory_space<hbm>> -> memref<1x224x224xf32, #tpu.memory_space<hbm>>
        %dma_start3A_88 = arith.constant 0 : i32
        %dma_start3A_89 = arith.constant 0 : i32
        %dma_start3A_90 = tpu.memref_slice %arg4[%select_n3A_57, %sub3A_60, %select_n3A_12, %dma_start3A_88, %dma_start3A_89] : memref<4x3x2x224x224xf32, #tpu.memory_space<hbm>> -> memref<1x1x1x224x224xf32, #tpu.memory_space<hbm>>
        %dma_start3A_91 = tpu.memref_squeeze %dma_start3A_90 : memref<1x1x1x224x224xf32, #tpu.memory_space<hbm>> -> memref<1x224x224xf32, #tpu.memory_space<hbm>>
        tpu.enqueue_dma source(%arg5 : memref<1x224x224xf32, #tpu.memory_space<vmem>>) target(%dma_start3A_91 : memref<1x224x224xf32, #tpu.memory_space<hbm>>) target_semaphore(%run_scoped3A : memref<!tpu.dma_semaphore, #tpu.memory_space<semaphore_mem>>)
        %dma_wait3A_92 = arith.constant 0 : i32
        %dma_wait3A_93 = arith.constant 0 : i32
        %dma_wait3A_94 = tpu.memref_slice %arg4[%select_n3A_57, %sub3A_60, %select_n3A_12, %dma_wait3A_92, %dma_wait3A_93] : memref<4x3x2x224x224xf32, #tpu.memory_space<hbm>> -> memref<1x1x1x224x224xf32, #tpu.memory_space<hbm>>
        %dma_wait3A_95 = tpu.memref_squeeze %dma_wait3A_94 : memref<1x1x1x224x224xf32, #tpu.memory_space<hbm>> -> memref<1x224x224xf32, #tpu.memory_space<hbm>>
        %dma_wait3A_96 = arith.constant 0 : i32
        %dma_wait3A_97 = arith.constant 0 : i32
        %dma_wait3A_98 = tpu.memref_slice %arg4[%select_n3A_57, %sub3A_60, %select_n3A_12, %dma_wait3A_96, %dma_wait3A_97] : memref<4x3x2x224x224xf32, #tpu.memory_space<hbm>> -> memref<1x1x1x224x224xf32, #tpu.memory_space<hbm>>
        %dma_wait3A_99 = tpu.memref_squeeze %dma_wait3A_98 : memref<1x1x1x224x224xf32, #tpu.memory_space<hbm>> -> memref<1x224x224xf32, #tpu.memory_space<hbm>>
        tpu.wait_dma2 semaphore(%run_scoped3A : memref<!tpu.dma_semaphore, #tpu.memory_space<semaphore_mem>>) src(%arg5 : memref<1x224x224xf32, #tpu.memory_space<vmem>>) dst(%dma_wait3A_99 : memref<1x224x224xf32, #tpu.memory_space<hbm>>)
        tpu.yield
      }) : () -> ()
    } else {
    }
    return
  }
}

</mosaic_0001>

<sc_bundles>
// kernel: kernel.3.cloned.1.call-start
scs
__scs_entry_jumppad:
0x0: {  	(pc) =	sbr.rel $0x88, $3  }
0x1: {  	(tag) =	ssettag $0x0;
	lr =	simm.s32 $0x1  }
0x2: {  	[smem:$0x3FA0] =	sst lr;
	_ =	strace $0xD0000000  }
0x3: {  	_ = 	snop  }
0x4: {  	_ = 	snop  }
0x5: {  	_ = 	snop  }
0x6: {  	_ = 	snop  }
0x7: {  	_ = 	snop  }
__scs_overlays_trampoline_lowered:
0x8: {  	[smem:$0x3FAF] =	sst s0  }
0x9: {  	[smem:$0x3FB0] =	sst s1  }
0xa: {  	[smem:$0x3FB1] =	sst s2  }
0xb: {  	[smem:$0x3FB2] =	sst s3  }
0xc: {  	[smem:$0x3FB3] =	sst s4  }
0xd: {  	[smem:$0x3FB4] =	sst s5  }
0xe: {  	[smem:$0x3FB5] =	sst s6  }
0xf: {  	[smem:$0x3FB6] =	sst s7  }
0x10: {  	[smem:$0x3FB7] =	sst s8  }
0x11: {  	[smem:$0x3FB8] =	sst s9;
	s0 =	simm.s32 @!p0 $0x0  }
0x12: {  	s1 =	sld [smem:$0x3F9E];
	s0 =	simm.s32 @p0 $0x1  }
0x13: {  	[smem:$0x3FB9] =	sst s0;
	s0 =	simm.s32 @!p1 $0x0  }
0x14: {  	s2 =	sld [smem:$0x3F9D];
	s0 =	simm.s32 @p1 $0x1  }
0x15: {  	[smem:$0x3FBA] =	sst s0;
	s0 =	simm.s32 @!p2 $0x0  }
0x16: {  	s3 =	sld [smem:$0x3FDB];
	s0 =	simm.s32 @p2 $0x1  }
0x17: {  	s4 =	simm.s32 $0x1BF5;
	[smem:$0x3FBC] =	sst s0  }
0x18: {  	s0 =	sld [smem:$0x3F9F];
	_ =	swait.ge [sflag:s4], $0x0  }
0x19: {  	s7 =	sld [smem:$0x3FA0]  }
0x1a: {  	s8 =	sadd.s32 $0xFFFFE003, lr  }
0x1b: {  	s9 =	sadd.s32 $0xFFFFFEF7, lr;
	s5 =	simm.s32 $0xFFFFFFFF;
	p2 =	slt.u32 s8, $0xFFFFF086  }
0x1c: {  	p1 =	slt.u32 s9, $0xF7A;
	s5 =	simm.s32 @!p2 $0x0  }
0x1d: {  	s5 =	simm.s32 @p1 $0x1;
	p0 =	seq.s32 s7, s2  }
0x1e: {  	s7 =	smul.u32 @!p0 $0xF7A, s2;
	p2 =	seq.s32 @!p0 s5, $0x0  }
0x1f: {  	s9 =	smul.u32 $0xF7A, s1;
	s8 =	simm.s32 @!p0 $0x1BF5;
	p2 =	por !p2, p0  }
0x20: {  	[sflag:s8] =	ssyncset.s32 @!p0 $0xFFFFF086;
	s6 =	sadd.s32 @!p0 s3, s7;
	s7 =	simm.s32 @!p0 $0x108  }
0x21: {  	s3 =	sadd.s32 s3, s9;
	s6 =	sadd.s32 @!p0 $0x88, s6;
	s7 =	simm.s32 @p2 $0x1082  }
0x22: {  	[simem:s7], [sflag:s8] =	dma.local @!p0 [hbm:s6], $0xF7A  }
0x23: {  	s9 =	sor.u32 $0xD0000000, s2;
	s6 =	simm.s32 $0x108;
	_ =	swait.ge @!p0 [sflag:s8], $0x0  }
0x24: {  	s3 =	sadd.s32 $0x88, s3;
	s6 =	simm.s32 @!p1 $0x1082;
	[sflag:s4] =	ssyncset.s32 $0xFFFFF086  }
0x25: {  	[simem:s6], [sflag:s4] =	dma.local [hbm:s3], $0xF7A  }
0x26: {  	[smem:$0x3FA0] =	sst s1;
	(tag) =	ssettag s2;
	_ =	strace s9  }
0x27: {  	s1 =	sld [smem:$0x3FB0]  }
0x28: {  	s2 =	sld [smem:$0x3FB1]  }
0x29: {  	s4 =	sld [smem:$0x3FB3]  }
0x2a: {  	p0 =	seq.s32 s5, $0x0;
	s5 =	sld [smem:$0x3FB4]  }
0x2b: {  	s6 =	sld [smem:$0x3FB5]  }
0x2c: {  	s7 =	sld [smem:$0x3FB6]  }
0x2d: {  	s3 =	simm.s32 $0x108;
	s8 =	sld [smem:$0x3FB7]  }
0x2e: {  	s3 =	simm.s32 @!p0 $0x1082;
	s9 =	sld [smem:$0x3FB8]  }
0x2f: {  	lr =	sadd.s32 s0, s3;
	s0 =	sld [smem:$0x3FAF]  }
0x30: {  	s3 =	sld [smem:$0x3FB2]  }
0x31: {  	[smem:$0x3FBB] =	sst s10  }
0x32: {  	s10 =	sld [smem:$0x3FB9];
	_ =	sdelay $0x3  }
0x33: {  	p0 =	seq.s32 s10, $0x1;
	s10 =	sld [smem:$0x3FBB];
	_ =	sdelay $0x3  }
0x34: {  	[smem:$0x3FBB] =	sst s10  }
0x35: {  	s10 =	sld [smem:$0x3FBA];
	_ =	sdelay $0x3  }
0x36: {  	p1 =	seq.s32 s10, $0x1;
	s10 =	sld [smem:$0x3FBB];
	_ =	sdelay $0x3  }
0x37: {  	[smem:$0x3FBB] =	sst s10  }
0x38: {  	s10 =	sld [smem:$0x3FBC]  }
0x39: {  	_ = 	snop;
	(pc) =	sbr.ind lr, $3  }
0x3a: {  	_ = 	snop  }
0x3b: {  	_ = 	snop  }
0x3c: {  	p2 =	seq.s32 s10, $0x1;
	s10 =	sld [smem:$0x3FBB]  }
0x3d: {  	_ =	shalt  }
0x3e: {  	_ =	shalt  }
0x3f: {  	_ =	shalt  }
0x40: {  	_ =	shalt  }
0x41: {  	_ =	shalt  }
0x42: {  	_ =	shalt  }
0x43: {  	_ =	shalt  }
0x44: {  	_ =	shalt  }
0x45: {  	_ =	shalt  }
0x46: {  	_ =	shalt  }
0x47: {  	_ =	shalt  }
0x48: {  	_ =	shalt  }
0x49: {  	_ =	shalt  }
0x4a: {  	_ =	shalt  }
0x4b: {  	_ =	shalt  }
0x4c: {  	_ =	shalt  }
0x4d: {  	_ =	shalt  }
0x4e: {  	_ =	shalt  }
0x4f: {  	_ =	shalt  }
0x50: {  	_ =	shalt  }
0x51: {  	_ =	shalt  }
0x52: {  	_ =	shalt  }
0x53: {  	_ =	shalt  }
0x54: {  	_ =	shalt  }
0x55: {  	_ =	shalt  }
0x56: {  	_ =	shalt  }
0x57: {  	_ =	shalt  }
0x58: {  	_ =	shalt  }
0x59: {  	_ =	shalt  }
0x5a: {  	_ =	shalt  }
0x5b: {  	_ =	shalt  }
0x5c: {  	_ =	shalt  }
0x5d: {  	_ =	shalt  }
0x5e: {  	_ =	shalt  }
0x5f: {  	_ =	shalt  }
0x60: {  	_ =	shalt  }
0x61: {  	_ =	shalt  }
0x62: {  	_ =	shalt  }
0x63: {  	_ =	shalt  }
0x64: {  	_ =	shalt  }
0x65: {  	_ =	shalt  }
0x66: {  	_ =	shalt  }
0x67: {  	_ =	shalt  }
0x68: {  	_ =	shalt  }
0x69: {  	_ =	shalt  }
0x6a: {  	_ =	shalt  }
0x6b: {  	_ =	shalt  }
0x6c: {  	_ =	shalt  }
0x6d: {  	_ =	shalt  }
0x6e: {  	_ =	shalt  }
0x6f: {  	_ =	shalt  }
0x70: {  	_ =	shalt  }
0x71: {  	_ =	shalt  }
0x72: {  	_ =	shalt  }
0x73: {  	_ =	shalt  }
0x74: {  	_ =	shalt  }
0x75: {  	_ =	shalt  }
0x76: {  	_ =	shalt  }
0x77: {  	_ =	shalt  }
0x78: {  	_ =	shalt  }
0x79: {  	_ =	shalt  }
0x7a: {  	_ =	shalt  }
0x7b: {  	_ =	shalt  }
0x7c: {  	_ =	shalt  }
0x7d: {  	_ =	shalt  }
0x7e: {  	_ =	shalt  }
0x7f: {  	_ =	shalt  }
0x80: {  	_ =	shalt  }
0x81: {  	_ =	shalt  }
0x82: {  	_ =	shalt  }
0x83: {  	_ =	shalt  }
0x84: {  	_ =	shalt  }
0x85: {  	_ =	shalt  }
0x86: {  	_ =	shalt  }
0x87: {  	_ =	shalt  }
.Lfunc_end0:
.L_simem_size_0:
called_computation_lowered:
.L_overlay_start_0:
0x88: {  	s2 =	sld [smem:$0x3FD9]  }
0x89: {  	s3 =	sld [smem:$0x3FFE];
	_ =	sdelay $0x1  }
0x8a: {  	s1 =	srdreg.scid  }
0x8b: {  	s0 =	sand.u32 $0x1, s1  }
0x8c: {  	s17 =	sshll.u32 s0, $0xA;
	s2 =	sadd.s32 s3, s2  }
0x8d: {  	s2 =	sadd.s32 s2, s17  }
0x8e: {  	[smem:$0x3FC7] =	sst s2  }
0x8f: {  	_ = 	snop  }
0x90: {  	s2 =	sld [smem:$0x3FC9]  }
0x91: {  	s18 =	sld [smem:$0x3FD0];
	(tm) =	ssettm $0x1  }
0x92: {  	s4 =	sld [smem:$0x3FFB];
	_ =	sdelay $0x3  }
0x93: {  	_ =	strace s4  }
0x94: {  	s4 =	sld [smem:$0x3FFC];
	_ =	sdelay $0x3  }
0x95: {  	_ =	strace s4  }
0x96: {  	s4 =	sld [smem:$0x3FFD];
	_ =	sdelay $0x3  }
0x97: {  	_ =	strace s4  }
0x98: {  	_ =	strace $0x8FFFFFFF  }
0x99: {  	s19 =	sld [smem:$0x3FDB];
	_ =	sdelay $0x1  }
0x9a: {  	s5 =	simm.s32 $_scs_section_size  }
0x9b: {  	s6 =	simm.s32 $_size__tile_overlayer_lowered;
	s7 =	simm.s32 $_tile_overlayer_lowered  }
0x9c: {  	s22 =	simm.s32 $0x1BFF;
	s21 =	sshll.u32 s7, $0x1;
	s4 =	sadd.s32 s5, s19  }
0x9d: {  	s8 =	simm.s32 $0x0;
	s20 =	sshll.u32 s6, $0x1;
	s6 =	sadd.s32 s21, s4  }
0x9e: {  	[timem:s8], [sflag:s22] =	dma.local [hbm:s6], s20  }
0x9f: {  	_ =	swait.ge [sflag:s22], s20  }
0xa0: {  	s5 =	ssub.s32 $0x0, s20;
	[sflag:s22] =	ssyncset.done $0x0  }
0xa1: {  	[sflag:s22] =	ssyncadd.s32 s5;
	_ =	sdelay $0x1  }
0xa2: {  	s23 =	simm.s32 $0x1B8B  }
0xa3: {  	_ =	swait.ge [sflag:s23], $0x1  }
0xa4: {  	[sflag:s23] =	ssyncset.done $0x0  }
0xa5: {  	s25 =	simm.s32 $0x1B8E;
	s24 =	sld [smem:$0x3FFE];
	[sflag:s23] =	ssyncadd.s32 $0xFFFFFFFF  }
0xa6: {  	s26 =	simm.s32 $execute0_lowered;
	[smem:$0x3FD2] =	sst s25  }
0xa7: {  	s6 =	sshll.u32 s26, $0x1;
	_ =	strace $0x80000046;
	[dreg:$0x1] =	wrdreg $0xFFFFFFFF  }
0xa8: {  	s28 =	simm.s32 $_size_execute0_lowered;
	s4 =	sadd.s32 s4, s6;
	[dreg:$0x0] =	wrdreg $0x0  }
0xa9: {  	s6 =	sshll.u32 s28, $0x1;
	[dreg:$0x2] =	wrdreg s4  }
0xaa: {  	[dreg:$0x3] =	wrdreg s6  }
0xab: {  	[dreg:$0x4] =	wrdreg $0xC0  }
0xac: {  	_ =	task [dreg:s8], $0x5FFFF  }
0xad: {  	[dreg:$0x1] =	wrdreg $0xFFFFFFFF  }
0xae: {  	[dreg:$0x0] =	wrdreg $0x60  }
0xaf: {  	[dreg:$0x2] =	wrdreg s24  }
0xb0: {  	[dreg:$0x3] =	wrdreg s2  }
0xb1: {  	[dreg:$0x4] =	wrdreg s18  }
0xb2: {  	[dreg:$0x5] =	wrdreg $0x9  }
0xb3: {  	_ =	task.clear_ibuf [dreg:s8], $0x6FFFF;
	_ =	strace $0x90000046  }
0xb4: {  	s29 =	simm.s32 $0x9;
	_ =	strace $0x80000048  }
0xb5: {  	_ =	swait.ge [sflag:s29], $0x1  }
0xb6: {  	[sflag:s29] =	ssyncadd.s32 $0xFFFFFFFF  }
0xb7: {  	_ =	strace $0x90000048  }
0xb8: {  	_ =	sfence  }
0xb9: {  	s30 =	sld [smem:$0x0];
	_ =	sdelay $0x2  }
0xba: {  	s31 =	sshll.u32 s1, $0xD;
	s1 =	sshrl.u32 s1, $0x2  }
0xbb: {  	s3 =	sand.u32 $0x4000, s31;
	s1 =	sadd.s32 s1, s30  }
0xbc: {  	s0 =	sor.u32 s3, s0;
	s1 =	sshll.u32 s1, $0x11  }
0xbd: {  	s0 =	sor.u32 s1, s0  }
0xbe: {  	s0 =	sadd.s32 $0x8F2B, s0  }
0xbf: {  	[sflag:s0] =	ssyncadd.remote.s32 $0x1  }
0xc0: {  	_ =	sfence.sel $0xFFFF  }
0xc1: {  	[dreg:$0x0] =	wrdreg $0xFFFFFFFF;
	(pc) =	sbr.abs _section_cstart, $3  }
0xc2: {  	[dreg:$0x1] =	wrdreg $0xFFFFFFFF  }
0xc3: {  	_ =	task.clear_ibuf [dreg:s8], $0x2FFFF;
	_ =	strace $0x9FFFFFFF  }
0xc4: {  	(tm) =	ssettm $0x7FFFFFFF  }
0xc5: {  	_ =	shalt  }
tec
execute0_lowered:
.L_overlay_start_1:
0x0: {  	(tag) =	ssettag $0x1  }
0x1: {  	s1 =	stileid.u32  }
0x2: {  	p0 =	sgt.u32 s1, $0xB  }
.Ltmp0:
0x3: {  	s4 =	rddreg [dreg:$0x0];
	(pc) =	sbr.rel @p0 .LBB2_4-.Ltmp0, $4  }
0x4: {  	s2 =	rddreg [dreg:$0x1]  }
0x5: {  	s11 =	rddreg [dreg:$0x2];
	s3 =	simm.s32 $0x0  }
0x6: {  	[smem:$0x7FF] =	sst s3  }
0x7: {  	s0 =	rddreg [dreg:$0x3];
	_ =	strace $0x80000047  }
0x8: {  	s5 =	srdreg.scid  }
0x9: {  	s4 =	sadd.s32 $0xA00, s4;
	s6 =	simm.s32 $0xE000;
	s12 =	sand.u32 $0x1, s5  }
0xa: {  	[tilespmem:s6], [sflag:$0x2] =	stream.linear.gather [hbm4b:s4+s3], $0x80, $0x38;
	[tilespmem:$0xE080] =	vst v63  }
0xb: {  	s5 =	sor.u32 s12, s1  }
0xc: {  	p0 =	seq.s32 s5, $0x0;
	s5 =	simm.s32 $0x2  }
0xd: {  	p1 =	seq.s32 s12, $0x1;
	_ =	swait.ge [sflag:s5], $0x80  }
0xe: {  	p0 =	por !p0, !p1;
	[sflag:s5] =	ssyncset.done $0x0  }
0xf: {  	s7 =	simm.s32 $0x1;
	p0 =	por !p0, !p0;
	[sflag:s5] =	ssyncadd.s32 $0xFFFFFF80  }
0x10: {  	s7 =	simm.s32 @!p0 $0x0;
	v0 =	vld [tilespmem:$0xE000]  }
0x11: {  	s7 =	ssub.s32 s1, s7  }
0x12: {  	s8 =	sshll.u32 s7, $0x18  }
0x13: {  	s8 =	sshra.s32 s8, $0x18  }
0x14: {  	s8 =	smul.u32 $0x56, s8  }
0x15: {  	(v2sf) =	vpush v0, $0x0  }
0x16: {  	s9 =	sshrl.u32 s8, $0x1F;
	s8 =	sshrl.u32 s8, $0x8;
	(v2sf) =	vpush v0, $0x1  }
0x17: {  	s8 =	sadd.s32 s9, s8  }
0x18: {  	s9 =	smul.u32 $0xFFFFFFFD, s8  }
0x19: {  	s10 =	ssub.s32 $0x0, s7  }
0x1a: {  	s10 =	sand.u32 $0xFF, s10;
	s9 =	sand.u32 $0xFF, s9  }
0x1b: {  	p5 =	slt.s32 s7, $0x1;
	p6 =	sne.s32 s9, s10  }
0x1c: {  	p0 =	por !p5, !p6  }
0x1d: {  	s9 =	simm.s32 $0x1;
	p0 =	por !p0, !p0  }
0x1e: {  	s8 =	sand.u32 $0xFF, s8;
	s9 =	simm.s32 @!p0 $0x0  }
0x1f: {  	s24 =	ssub.s32 s8, s9  }
0x20: {  	s8 =	smul.u32 $0xFFFFFFFD, s24  }
0x21: {  	s25 =	sxor.u32 $0x1, s12;
	s9 =	smul.u32 $0x540000, s24  }
0x22: {  	s13 =	sadd.s32 s7, s8;
	s7 =	smul.u32 $0xE000, s25  }
0x23: {  	s8 =	smul.u32 $0xE000, s12  }
0x24: {  	s14 =	smul.u32 $0x1C0000, s13;
	s15 =	spop (v2sf)  }
0x25: {  	s15 =	smul.u32 s7, s15;
	s16 =	spop (v2sf)  }
0x26: {  	s16 =	smul.u32 s8, s16;
	_ =	sdelay $0x1  }
0x27: {  	s12 =	ssub.s32 $0x2, s12;
	s9 =	sadd.s32 s9, s14;
	s26 =	sadd.s32 s16, s15  }
0x28: {  	s31 =	sshrl.u32 s12, $0x1;
	s14 =	sadd.s32 s26, s9  }
0x29: {  	s28 =	smul.u32 $0x54000, s24;
	s12 =	ssub.s32 s12, s31;
	s29 =	sshrl.u32 s14, $0x3  }
0x2a: {  	s13 =	smul.u32 $0x1C000, s13;
	s12 =	smax.u32 s12, $0x1;
	s10 =	sadd.s32 s2, s29  }
0x2b: {  	[tilespmem:s3], [sflag:$0x1] =	stream.linear.gather [hbm4b:s10+s3], $0xE000, $0x38;
	[tilespmem:$0xE080] =	vst v63  }
0x2c: {  	s30 =	sadd.s32 s8, s28;
	p0 =	sne.s32 s12, $0x1;
	s10 =	simm.s32 $0x1  }
.Ltmp1:
0x2d: {  	s13 =	sadd.s32 s13, s30;
	_ =	swait.ge [sflag:s10], $0xE000;
	(pc) =	sbr.rel @!p0 .LBB2_3-.Ltmp1, $4  }
0x2e: {  	s13 =	sshrl.u32 s13, $0x3;
	[sflag:s10] =	ssyncset.done $0x0  }
0x2f: {  	s11 =	sadd.s32 s11, s13;
	[sflag:s10] =	ssyncadd.s32 $0xFFFF2000  }
0x30: {  	[hbm4b:s11+s3] =	stream.linear.scatter [tilespmem:s3], [sflag:$0x2], $0xE000, $0x38;
	[tilespmem:$0xE080] =	vst v63  }
0x31: {  	s12 =	sadd.s32 $0xFFFFFFFF, s12;
	_ =	swait.ge [sflag:s5], $0xE000  }
.LBB2_2:
0x32: {  	p0 =	sne.s32 s12, $0x1;
	s12 =	sadd.s32 $0xFFFFFFFF, s12;
	[sflag:s5] =	ssyncset.done $0x0  }
0x33: {  	[sflag:s5] =	ssyncadd.s32 $0xFFFF2000  }
0x34: {  	[tilespmem:s6], [sflag:$0x2] =	stream.linear.gather [hbm4b:s4+s3], $0x80, $0x38;
	[tilespmem:$0xE080] =	vst v63  }
0x35: {  	_ =	swait.ge [sflag:s5], $0x80  }
0x36: {  	[sflag:s5] =	ssyncset.done $0x0  }
0x37: {  	[sflag:s5] =	ssyncadd.s32 $0xFFFFFF80  }
0x38: {  	v0 =	vld [tilespmem:$0xE000];
	_ =	sdelay $0x4  }
0x39: {  	(v2sf) =	vpush v0, $0x0  }
0x3a: {  	(v2sf) =	vpush v0, $0x1;
	_ =	sdelay $0xd  }
0x3b: {  	s13 =	spop (v2sf)  }
0x3c: {  	s13 =	smul.u32 s7, s13;
	s14 =	spop (v2sf)  }
0x3d: {  	s14 =	smul.u32 s8, s14;
	_ =	sdelay $0x1  }
0x3e: {  	s13 =	sadd.s32 s14, s13  }
0x3f: {  	s13 =	sadd.s32 s13, s9  }
0x40: {  	s13 =	sshrl.u32 s13, $0x3  }
0x41: {  	s13 =	sadd.s32 s2, s13  }
0x42: {  	[tilespmem:s3], [sflag:$0x1] =	stream.linear.gather [hbm4b:s13+s3], $0xE000, $0x38;
	[tilespmem:$0xE080] =	vst v63  }
.Ltmp2:
0x43: {  	_ =	swait.ge [sflag:s10], $0xE000;
	(pc) =	sbr.rel @p0 .LBB2_2-.Ltmp2, $4  }
0x44: {  	[sflag:s10] =	ssyncset.done $0x0  }
0x45: {  	[sflag:s10] =	ssyncadd.s32 $0xFFFF2000  }
0x46: {  	[hbm4b:s11+s3] =	stream.linear.scatter [tilespmem:s3], [sflag:$0x2], $0xE000, $0x38;
	[tilespmem:$0xE080] =	vst v63  }
0x47: {  	_ =	swait.ge [sflag:s5], $0xE000  }
.LBB2_3:
0x48: {  	[sflag:s5] =	ssyncset.done $0x0  }
0x49: {  	[sflag:s5] =	ssyncadd.s32 $0xFFFF2000  }
.LBB2_4:
0x4a: {  	_ =	sfence.sel $0x180000  }
0x4b: {  	[bflag:$0x0] =	sbarrier.arrive $0xFFFF  }
0x4c: {  	p0 =	sne.s32 s1, $0x0;
	_ =	strace $0x90000047  }
0x4d: {  	s0 =	sadd.s32 @!p0 $0x100000, s0;
	[bflag:$0x2] =	sbarrier.arrive $0xFFFF  }
0x4e: {  	[sflag:s0] =	ssyncadd.tile.s32 @!p0 $0x1;
	_ =	shalt  }
.Lfunc_end2:
_tile_overlayer_lowered:
.L_overlay_start_2:
0x4f: {  	(tag) =	ssettag $0x2  }
0x50: {  	s0 =	rddreg [dreg:$0x0];
	s2 =	stileid.u32  }
0x51: {  	s1 =	rddreg [dreg:$0x1];
	p0 =	sne.s32 s2, $0x0  }
0x52: {  	s3 =	rddreg [dreg:$0x2];
	[bflag:$0x3] =	sbarrier.arrive $0xFFFF;
	s2 =	simm.s32 @!p0 $0x1C02  }
0x53: {  	[timem:s3], [sflag:s2] =	dma.local @!p0 [hbm:s0], s1  }
0x54: {  	s0 =	simm.s32 @!p0 $0x2  }
0x55: {  	_ =	swait.ge @!p0 [sflag:s0], s1  }
0x56: {  	s1 =	ssub.s32 @!p0 $0x0, s1;
	[sflag:s0] =	ssyncset.done @!p0 $0x0  }
0x57: {  	[sflag:s0] =	ssyncadd.s32 @!p0 s1  }
0x58: {  	[bflag:$0x3] =	sbarrier.arrive $0xFFFF  }
0x59: {  	_ =	shalt  }

</sc_bundles>
